<compile_context>
chip_gen: v7x
topology: tpu7x:2x2x1
jax: 0.10.2.dev20260603
libtpu: 0.0.44.dev20260713+nightly
codegen_flags: <defaults>
</compile_context>

<pallas_src>
import functools

import jax
import jax.numpy as jnp
from jax import lax
from jax.experimental import pallas as pl
from jax.experimental.pallas import tpu as pltpu
from jax.experimental.pallas import tpu_sc as plsc

_E = 320000
_N = 10000
_NU = 128
_NB = 16

_NC = 2
_NS = 16
_NW = _NC * _NS
_EPW = _E // _NW

_BN = 2000
_NBLK = _N // _BN


def _sc_scatter_body(idx1, idx2, vx, vy, part,
                     i1_v, i2_v, vx_v, vy_v, zbuf, acc, lsem, ssem):
    c = lax.axis_index("c")
    s = lax.axis_index("s")
    w = s * _NC + c
    base = w * _EPW

    @pl.when(s < _NBLK)
    def _zero():
        def zstore(i, carry):
            zbuf[pl.ds(i * 16, 16)] = jnp.zeros((16,), jnp.float32)
            return carry

        lax.fori_loop(0, _BN // 16, zstore, 0)
        pltpu.sync_copy(zbuf, acc.at[pl.ds(s * _BN, _BN)])

    loads = [
        pltpu.async_copy(idx1.at[pl.ds(base, _EPW)], i1_v, lsem),
        pltpu.async_copy(idx2.at[pl.ds(base, _EPW)], i2_v, lsem),
        pltpu.async_copy(vx.at[pl.ds(base, _EPW)], vx_v, lsem),
        pltpu.async_copy(vy.at[pl.ds(base, _EPW)], vy_v, lsem),
    ]
    for d in loads:
        d.wait()

    plsc.subcore_barrier()

    d1 = pltpu.async_copy(vx_v, acc.at[i1_v], ssem, add=True)
    d2 = pltpu.async_copy(vy_v, acc.at[i2_v], ssem, add=True)
    d1.wait()
    d2.wait()

    plsc.subcore_barrier()

    @pl.when(s < _NBLK)
    def _flush():
        pltpu.sync_copy(acc.at[pl.ds(s * _BN, _BN)], part.at[c, s, 0])


_sc_scatter = functools.partial(
    pl.kernel,
    out_type=jax.ShapeDtypeStruct((_NC, _NBLK, 1, _BN), jnp.float32),
    mesh=plsc.VectorSubcoreMesh(core_axis_name="c", subcore_axis_name="s",
                                num_cores=_NC, num_subcores=_NS),
    scratch_types=[
        pltpu.VMEM((_EPW,), jnp.int32),
        pltpu.VMEM((_EPW,), jnp.int32),
        pltpu.VMEM((_EPW,), jnp.float32),
        pltpu.VMEM((_EPW,), jnp.float32),
        pltpu.VMEM((_BN,), jnp.float32),
        pltpu.VMEM_SHARED((_N,), jnp.float32),
        pltpu.SemaphoreType.DMA,
        pltpu.SemaphoreType.DMA,
    ],
    compiler_params=pltpu.CompilerParams(use_tc_tiling_on_sc=False),
)(_sc_scatter_body)


def _tc_assemble_body(part_ref, out_ref):
    p = part_ref[0, 0, 0, :] + part_ref[1, 0, 0, :]
    lanes = lax.broadcasted_iota(jnp.int32, (_BN, _NU), 1)
    out_ref[...] = jnp.where(lanes == 0, p[:, None], jnp.float32(0.0))


def kernel(unary, binary, deltas, index1, index2):
    del unary, binary

    i1 = index1.astype(jnp.int32)
    i2 = index2.astype(jnp.int32)
    vx = deltas[:, 0]
    vy = deltas[:, _NU]

    parts = _sc_scatter(i1, i2, vx, vy)

    out1 = pl.pallas_call(
        _tc_assemble_body,
        grid=(_NBLK,),
        in_specs=[pl.BlockSpec((_NC, 1, 1, _BN), lambda i: (0, i, 0, 0))],
        out_specs=pl.BlockSpec((_BN, _NU), lambda i: (i, 0)),
        out_shape=jax.ShapeDtypeStruct((_N, _NU), jnp.float32),
    )(parts)

    return (out1, deltas[:, 2 * _NU:])

# --- scband reference (transcript-rebuilt; emitter-appended) ---
"""Pipeline reference for scband-group-by-14276471292141 (READ-ONLY COPY).

The authoritative reference and input builder live on the scoring server;
editing this copy changes nothing except your own understanding.
"""

import jax, jax.numpy as jnp
import numpy as np

N_UNARY = 128
N_NODES = 10000
N_EDGES = 320000
N_BINARY = 16


def setup_inputs(seed: int = 0) -> dict:
    key = jax.random.key(seed)
    k1, k2, k3, k4, k5 = jax.random.split(key, 5)
    unary = jax.random.normal(k1, (N_NODES, N_UNARY), dtype=jnp.float32)
    binary = jax.random.normal(k2, (N_EDGES, N_BINARY), dtype=jnp.float32)
    deltas = jax.random.normal(k3, (N_EDGES, 2 * N_UNARY + N_BINARY), dtype=jnp.float32)
    index1 = jax.random.randint(k4, (N_EDGES,), 0, N_NODES, dtype=jnp.int64 if jax.config.jax_enable_x64 else jnp.int32)
    index2 = jax.random.randint(k5, (N_EDGES,), 0, N_NODES, dtype=jnp.int64 if jax.config.jax_enable_x64 else jnp.int32)
    return {"unary": unary, "binary": binary, "deltas": deltas, "index1": index1, "index2": index2}


def reference(unary, binary, deltas, index1, index2):
    # Faithful translation of torch's self.scatter_(dim=0, index=index.unsqueeze(1), src=ux, reduce='add').
    # In torch, iteration is over the INDEX tensor's shape. Since index has shape [E, 1],
    # only column j=0 of src is scattered; all other columns of the zeros buffer remain 0.
    n_unary = N_UNARY
    ux = deltas[:, :n_unary]
    uy = deltas[:, n_unary:2 * n_unary]
    b = deltas[:, 2 * n_unary:]
    ux_deltas = jnp.zeros(unary.shape, dtype=unary.dtype).at[index1, 0].add(ux[:, 0])
    uy_deltas = jnp.zeros(unary.shape, dtype=unary.dtype).at[index2, 0].add(uy[:, 0])
    return (jnp.add(ux_deltas, uy_deltas), b)

if __name__ == "__main__":
    import jax
    _d = setup_inputs()
    print(jax.jit(kernel)(*tuple(_d.values())))

</pallas_src>

<mosaic_0001>
#map = affine_map<(d0, d1) -> (0)>
#map1 = affine_map<(d0, d1) -> (0, 0, 0, 0)>
module attributes {stable_mosaic.version = 14 : i64} {
  func.func @_sc_scatter_body(%arg0: i32, %arg1: i32, %arg2: memref<320000xi32, #tpu.memory_space<hbm>>, %arg3: memref<320000xi32, #tpu.memory_space<hbm>>, %arg4: memref<320000xf32, #tpu.memory_space<hbm>>, %arg5: memref<320000xf32, #tpu.memory_space<hbm>>, %arg6: memref<2x5x1x2000xf32, #tpu.memory_space<hbm>>, %arg7: memref<10000xi32, #tpu.memory_space<vmem>>, %arg8: memref<10000xi32, #tpu.memory_space<vmem>>, %arg9: memref<10000xf32, #tpu.memory_space<vmem>>, %arg10: memref<10000xf32, #tpu.memory_space<vmem>>, %arg11: memref<2000xf32, #tpu.memory_space<vmem>>, %arg12: memref<10000xf32, #tpu.memory_space<vmem_shared>>, %arg13: memref<!tpu.dma_semaphore, #tpu.memory_space<semaphore_mem>>, %arg14: memref<!tpu.dma_semaphore, #tpu.memory_space<semaphore_mem>>) attributes {dimension_semantics = [#tpu.dimension_semantics<core_parallel>, #tpu.dimension_semantics<subcore_parallel>], iteration_bounds = array<i64: 2, 16>, scalar_prefetch = 0 : i64, scratch_operands = 8 : i64, tpu.core_type = #tpu.core_type<sc_vector_subcore>, window_params = [{transform_indices = #map}, {transform_indices = #map}, {transform_indices = #map}, {transform_indices = #map}, {transform_indices = #map1}]} {
    %mul3A = arith.constant 2 : i32
    %mul3A_0 = arith.muli %arg1, %mul3A : i32
    %add3A = arith.addi %mul3A_0, %arg0 : i32
    %mul3A_1 = arith.constant 10000 : i32
    %mul3A_2 = arith.muli %add3A, %mul3A_1 : i32
    %lt3A = arith.constant 5 : i32
    %lt3A_3 = arith.cmpi slt, %arg1, %lt3A : i32
    %convert_element_type3A = arith.extui %lt3A_3 : i1 to i32
    %cond3A = arith.constant 0 : i32
    %cond3A_4 = arith.cmpi ne, %convert_element_type3A, %cond3A : i32
    scf.if %cond3A_4 {
      %scan3A = arith.constant 0 : i32
      %scan3A_33 = arith.constant 0 : i32
      %scan3A_34 = arith.constant 125 : i32
      %scan3A_35 = arith.addi %scan3A_33, %scan3A_34 : i32
      %scan3A_36 = arith.constant 1 : i32
      scf.for %scan3A_40 = %scan3A_33 to %scan3A_35 step %scan3A_36  : i32 {
        %broadcast_in_dim3A = arith.constant 0.000000e+00 : f32
        %broadcast_in_dim3A_41 = vector.broadcast %broadcast_in_dim3A : f32 to vector<16xf32>
        %mul3A_42 = arith.constant 16 : i32
        %mul3A_43 = arith.muli %scan3A_40, %mul3A_42 : i32
        %swap3A = arith.index_cast %mul3A_43 : i32 to index
        %swap3A_44 = tpu.vector_load %arg11[%swap3A] {strides = array<i32>} : memref<2000xf32, #tpu.memory_space<vmem>>, vector<16xf32>,
        %swap3A_45 = vector.shape_cast %swap3A_44 : vector<16xf32> to vector<16xf32>
        %swap3A_46 = vector.shape_cast %broadcast_in_dim3A_41 : vector<16xf32> to vector<16xf32>
        tpu.vector_store %arg11[%swap3A], %swap3A_46 {strides = array<i32>} : memref<2000xf32, #tpu.memory_space<vmem>>, vector<16xf32>,
      }
      %scan3A_37 = arith.constant 125 : i32
      %mul3A_38 = arith.constant 2000 : i32
      %mul3A_39 = arith.muli %arg1, %mul3A_38 : i32
      "tpu.region"() ({
        %run_scoped3A = tpu.sem_alloc : memref<!tpu.dma_semaphore, #tpu.memory_space<semaphore_mem>>
        %dma_start3A_40 = tpu.memref_slice %arg12[%mul3A_39] : memref<10000xf32, #tpu.memory_space<vmem_shared>> -> memref<2000xf32, #tpu.memory_space<vmem_shared>>
        %dma_start3A_41 = tpu.memref_slice %arg12[%mul3A_39] : memref<10000xf32, #tpu.memory_space<vmem_shared>> -> memref<2000xf32, #tpu.memory_space<vmem_shared>>
        tpu.enqueue_dma source(%arg11 : memref<2000xf32, #tpu.memory_space<vmem>>) target(%dma_start3A_41 : memref<2000xf32, #tpu.memory_space<vmem_shared>>) target_semaphore(%run_scoped3A : memref<!tpu.dma_semaphore, #tpu.memory_space<semaphore_mem>>)
        %dma_wait3A_42 = tpu.memref_slice %arg12[%mul3A_39] : memref<10000xf32, #tpu.memory_space<vmem_shared>> -> memref<2000xf32, #tpu.memory_space<vmem_shared>>
        %dma_wait3A_43 = tpu.memref_slice %arg12[%mul3A_39] : memref<10000xf32, #tpu.memory_space<vmem_shared>> -> memref<2000xf32, #tpu.memory_space<vmem_shared>>
        tpu.wait_dma2 semaphore(%run_scoped3A : memref<!tpu.dma_semaphore, #tpu.memory_space<semaphore_mem>>) src(%arg11 : memref<2000xf32, #tpu.memory_space<vmem>>) dst(%dma_wait3A_43 : memref<2000xf32, #tpu.memory_space<vmem_shared>>)
        tpu.yield
      }) : () -> ()
    } else {
    }
    %dma_start3A = tpu.memref_slice %arg2[%mul3A_2] : memref<320000xi32, #tpu.memory_space<hbm>> -> memref<10000xi32, #tpu.memory_space<hbm>>
    %dma_start3A_5 = tpu.memref_slice %arg2[%mul3A_2] : memref<320000xi32, #tpu.memory_space<hbm>> -> memref<10000xi32, #tpu.memory_space<hbm>>
    tpu.enqueue_dma source(%dma_start3A_5 : memref<10000xi32, #tpu.memory_space<hbm>>) target(%arg7 : memref<10000xi32, #tpu.memory_space<vmem>>) target_semaphore(%arg13 : memref<!tpu.dma_semaphore, #tpu.memory_space<semaphore_mem>>)
    %dma_start3A_6 = tpu.memref_slice %arg3[%mul3A_2] : memref<320000xi32, #tpu.memory_space<hbm>> -> memref<10000xi32, #tpu.memory_space<hbm>>
    %dma_start3A_7 = tpu.memref_slice %arg3[%mul3A_2] : memref<320000xi32, #tpu.memory_space<hbm>> -> memref<10000xi32, #tpu.memory_space<hbm>>
    tpu.enqueue_dma source(%dma_start3A_7 : memref<10000xi32, #tpu.memory_space<hbm>>) target(%arg8 : memref<10000xi32, #tpu.memory_space<vmem>>) target_semaphore(%arg13 : memref<!tpu.dma_semaphore, #tpu.memory_space<semaphore_mem>>)
    %dma_start3A_8 = tpu.memref_slice %arg4[%mul3A_2] : memref<320000xf32, #tpu.memory_space<hbm>> -> memref<10000xf32, #tpu.memory_space<hbm>>
    %dma_start3A_9 = tpu.memref_slice %arg4[%mul3A_2] : memref<320000xf32, #tpu.memory_space<hbm>> -> memref<10000xf32, #tpu.memory_space<hbm>>
    tpu.enqueue_dma source(%dma_start3A_9 : memref<10000xf32, #tpu.memory_space<hbm>>) target(%arg9 : memref<10000xf32, #tpu.memory_space<vmem>>) target_semaphore(%arg13 : memref<!tpu.dma_semaphore, #tpu.memory_space<semaphore_mem>>)
    %dma_start3A_10 = tpu.memref_slice %arg5[%mul3A_2] : memref<320000xf32, #tpu.memory_space<hbm>> -> memref<10000xf32, #tpu.memory_space<hbm>>
    %dma_start3A_11 = tpu.memref_slice %arg5[%mul3A_2] : memref<320000xf32, #tpu.memory_space<hbm>> -> memref<10000xf32, #tpu.memory_space<hbm>>
    tpu.enqueue_dma source(%dma_start3A_11 : memref<10000xf32, #tpu.memory_space<hbm>>) target(%arg10 : memref<10000xf32, #tpu.memory_space<vmem>>) target_semaphore(%arg13 : memref<!tpu.dma_semaphore, #tpu.memory_space<semaphore_mem>>)
    %dma_wait3A = tpu.memref_slice %arg2[%mul3A_2] : memref<320000xi32, #tpu.memory_space<hbm>> -> memref<10000xi32, #tpu.memory_space<hbm>>
    %dma_wait3A_12 = tpu.memref_slice %arg2[%mul3A_2] : memref<320000xi32, #tpu.memory_space<hbm>> -> memref<10000xi32, #tpu.memory_space<hbm>>
    tpu.wait_dma2 semaphore(%arg13 : memref<!tpu.dma_semaphore, #tpu.memory_space<semaphore_mem>>) src(%dma_wait3A_12 : memref<10000xi32, #tpu.memory_space<hbm>>) dst(%arg7 : memref<10000xi32, #tpu.memory_space<vmem>>)
    %dma_wait3A_13 = tpu.memref_slice %arg3[%mul3A_2] : memref<320000xi32, #tpu.memory_space<hbm>> -> memref<10000xi32, #tpu.memory_space<hbm>>
    %dma_wait3A_14 = tpu.memref_slice %arg3[%mul3A_2] : memref<320000xi32, #tpu.memory_space<hbm>> -> memref<10000xi32, #tpu.memory_space<hbm>>
    tpu.wait_dma2 semaphore(%arg13 : memref<!tpu.dma_semaphore, #tpu.memory_space<semaphore_mem>>) src(%dma_wait3A_14 : memref<10000xi32, #tpu.memory_space<hbm>>) dst(%arg8 : memref<10000xi32, #tpu.memory_space<vmem>>)
    %dma_wait3A_15 = tpu.memref_slice %arg4[%mul3A_2] : memref<320000xf32, #tpu.memory_space<hbm>> -> memref<10000xf32, #tpu.memory_space<hbm>>
    %dma_wait3A_16 = tpu.memref_slice %arg4[%mul3A_2] : memref<320000xf32, #tpu.memory_space<hbm>> -> memref<10000xf32, #tpu.memory_space<hbm>>
    tpu.wait_dma2 semaphore(%arg13 : memref<!tpu.dma_semaphore, #tpu.memory_space<semaphore_mem>>) src(%dma_wait3A_16 : memref<10000xf32, #tpu.memory_space<hbm>>) dst(%arg9 : memref<10000xf32, #tpu.memory_space<vmem>>)
    %dma_wait3A_17 = tpu.memref_slice %arg5[%mul3A_2] : memref<320000xf32, #tpu.memory_space<hbm>> -> memref<10000xf32, #tpu.memory_space<hbm>>
    %dma_wait3A_18 = tpu.memref_slice %arg5[%mul3A_2] : memref<320000xf32, #tpu.memory_space<hbm>> -> memref<10000xf32, #tpu.memory_space<hbm>>
    tpu.wait_dma2 semaphore(%arg13 : memref<!tpu.dma_semaphore, #tpu.memory_space<semaphore_mem>>) src(%dma_wait3A_18 : memref<10000xf32, #tpu.memory_space<hbm>>) dst(%arg10 : memref<10000xf32, #tpu.memory_space<vmem>>)
    %barrier3A = arith.constant 0 : index
    tpu.barrier barrier_id(%barrier3A)
    %dma_start3A_19 = arith.constant 0 : i32
    %dma_start3A_20 = tpu.memref_slice %arg12[%dma_start3A_19] : memref<10000xf32, #tpu.memory_space<vmem_shared>> -> memref<10000xf32, #tpu.memory_space<vmem_shared>>
    tpu.enqueue_indirect_dma source(%arg9 : memref<10000xf32, #tpu.memory_space<vmem>>) target(%dma_start3A_20 : memref<10000xf32, #tpu.memory_space<vmem_shared>>) offsets(%arg7 : memref<10000xi32, #tpu.memory_space<vmem>>) semaphore(%arg14 : memref<!tpu.dma_semaphore, #tpu.memory_space<semaphore_mem>>) {add = true}
    %dma_start3A_21 = arith.constant 0 : i32
    %dma_start3A_22 = tpu.memref_slice %arg12[%dma_start3A_21] : memref<10000xf32, #tpu.memory_space<vmem_shared>> -> memref<10000xf32, #tpu.memory_space<vmem_shared>>
    tpu.enqueue_indirect_dma source(%arg10 : memref<10000xf32, #tpu.memory_space<vmem>>) target(%dma_start3A_22 : memref<10000xf32, #tpu.memory_space<vmem_shared>>) offsets(%arg8 : memref<10000xi32, #tpu.memory_space<vmem>>) semaphore(%arg14 : memref<!tpu.dma_semaphore, #tpu.memory_space<semaphore_mem>>) {add = true}
    %dma_wait3A_23 = arith.constant 0 : i32
    %dma_wait3A_24 = tpu.memref_slice %arg12[%dma_wait3A_23] : memref<10000xf32, #tpu.memory_space<vmem_shared>> -> memref<10000xf32, #tpu.memory_space<vmem_shared>>
    tpu.wait_indirect_dma semaphore(%arg14 : memref<!tpu.dma_semaphore, #tpu.memory_space<semaphore_mem>>) src(%arg9 : memref<10000xf32, #tpu.memory_space<vmem>>) dst(%dma_wait3A_24 : memref<10000xf32, #tpu.memory_space<vmem_shared>>)
    %dma_wait3A_25 = arith.constant 0 : i32
    %dma_wait3A_26 = tpu.memref_slice %arg12[%dma_wait3A_25] : memref<10000xf32, #tpu.memory_space<vmem_shared>> -> memref<10000xf32, #tpu.memory_space<vmem_shared>>
    tpu.wait_indirect_dma semaphore(%arg14 : memref<!tpu.dma_semaphore, #tpu.memory_space<semaphore_mem>>) src(%arg10 : memref<10000xf32, #tpu.memory_space<vmem>>) dst(%dma_wait3A_26 : memref<10000xf32, #tpu.memory_space<vmem_shared>>)
    %barrier3A_27 = arith.constant 0 : index
    tpu.barrier barrier_id(%barrier3A_27)
    %lt3A_28 = arith.constant 5 : i32
    %lt3A_29 = arith.cmpi slt, %arg1, %lt3A_28 : i32
    %convert_element_type3A_30 = arith.extui %lt3A_29 : i1 to i32
    %cond3A_31 = arith.constant 0 : i32
    %cond3A_32 = arith.cmpi ne, %convert_element_type3A_30, %cond3A_31 : i32
    scf.if %cond3A_32 {
      %mul3A_33 = arith.constant 2000 : i32
      %mul3A_34 = arith.muli %arg1, %mul3A_33 : i32
      %run_scoped3A = arith.constant 0 : i32
      "tpu.region"() ({
        %run_scoped3A_35 = tpu.sem_alloc : memref<!tpu.dma_semaphore, #tpu.memory_space<semaphore_mem>>
        %dma_start3A_36 = arith.constant 0 : i32
        %dma_start3A_37 = tpu.memref_slice %arg6[%arg0, %arg1, %run_scoped3A, %dma_start3A_36] : memref<2x5x1x2000xf32, #tpu.memory_space<hbm>> -> memref<1x1x1x2000xf32, #tpu.memory_space<hbm>>
        %dma_start3A_38 = tpu.memref_squeeze %dma_start3A_37 : memref<1x1x1x2000xf32, #tpu.memory_space<hbm>> -> memref<2000xf32, #tpu.memory_space<hbm>>
        %dma_start3A_39 = tpu.memref_slice %arg12[%mul3A_34] : memref<10000xf32, #tpu.memory_space<vmem_shared>> -> memref<2000xf32, #tpu.memory_space<vmem_shared>>
        tpu.enqueue_dma source(%dma_start3A_39 : memref<2000xf32, #tpu.memory_space<vmem_shared>>) target(%dma_start3A_38 : memref<2000xf32, #tpu.memory_space<hbm>>) target_semaphore(%run_scoped3A_35 : memref<!tpu.dma_semaphore, #tpu.memory_space<semaphore_mem>>)
        %dma_wait3A_40 = arith.constant 0 : i32
        %dma_wait3A_41 = tpu.memref_slice %arg6[%arg0, %arg1, %run_scoped3A, %dma_wait3A_40] : memref<2x5x1x2000xf32, #tpu.memory_space<hbm>> -> memref<1x1x1x2000xf32, #tpu.memory_space<hbm>>
        %dma_wait3A_42 = tpu.memref_squeeze %dma_wait3A_41 : memref<1x1x1x2000xf32, #tpu.memory_space<hbm>> -> memref<2000xf32, #tpu.memory_space<hbm>>
        %dma_wait3A_43 = tpu.memref_slice %arg12[%mul3A_34] : memref<10000xf32, #tpu.memory_space<vmem_shared>> -> memref<2000xf32, #tpu.memory_space<vmem_shared>>
        tpu.wait_dma2 semaphore(%run_scoped3A_35 : memref<!tpu.dma_semaphore, #tpu.memory_space<semaphore_mem>>) src(%dma_wait3A_43 : memref<2000xf32, #tpu.memory_space<vmem_shared>>) dst(%dma_wait3A_42 : memref<2000xf32, #tpu.memory_space<hbm>>)
        tpu.yield
      }) : () -> ()
    } else {
    }
    return
  }
}

module attributes {stable_mosaic.version = 14 : i64} {
  func.func @_tc_assemble_body(%arg0: i32, %arg1: memref<2x1x1x2000xf32, #tpu.memory_space<vmem>>, %arg2: memref<2000x128xf32, #tpu.memory_space<vmem>>) attributes {dimension_semantics = [#tpu.dimension_semantics<arbitrary>], iteration_bounds = array<i64: 5>, scalar_prefetch = 0 : i64, scratch_operands = 0 : i64, tpu.core_type = #tpu.core_type<tc>, window_params = [{transform_indices = @transform_0, window_bounds = array<i64: 2, 1, 1, 2000>}, {transform_indices = @transform_1, window_bounds = array<i64: 2000, 128>}]} {
    %get3A = arith.constant 0 : index
    %get3A_0 = arith.constant 0 : index
    %get3A_1 = arith.constant 0 : index
    %get3A_2 = arith.constant 0 : index
    %get3A_3 = vector.load %arg1[%get3A, %get3A_0, %get3A_1, %get3A_2] : memref<2x1x1x2000xf32, #tpu.memory_space<vmem>>, vector<1x1x1x2000xf32>
    %get3A_4 = vector.shape_cast %get3A_3 : vector<1x1x1x2000xf32> to vector<2000xf32>
    %get3A_5 = arith.constant 1 : index
    %get3A_6 = arith.constant 0 : index
    %get3A_7 = arith.constant 0 : index
    %get3A_8 = arith.constant 0 : index
    %get3A_9 = vector.load %arg1[%get3A_5, %get3A_6, %get3A_7, %get3A_8] : memref<2x1x1x2000xf32, #tpu.memory_space<vmem>>, vector<1x1x1x2000xf32>
    %get3A_10 = vector.shape_cast %get3A_9 : vector<1x1x1x2000xf32> to vector<2000xf32>
    %add3A = arith.addf %get3A_4, %get3A_10 : vector<2000xf32>
    %iota3A = tpu.iota {dimensions = array<i32: 1>} : vector<2000x128xi32>
    %eq3A = arith.constant 0 : i32
    %eq3A_11 = vector.broadcast %eq3A : i32 to vector<2000x128xi32>
    %eq3A_12 = arith.cmpi eq, %iota3A, %eq3A_11 : vector<2000x128xi32>
    %broadcast_in_dim3A = vector.shape_cast %add3A : vector<2000xf32> to vector<2000x1xf32>
    %jit3A = arith.constant 0.000000e+00 : f32
    %broadcast_in_dim3A_13 = vector.shape_cast %broadcast_in_dim3A : vector<2000x1xf32> to vector<2000x1xf32>
    %broadcast_in_dim3A_14 = vector.broadcast %broadcast_in_dim3A_13 : vector<2000x1xf32> to vector<2000x128xf32>
    %broadcast_in_dim3A_15 = vector.broadcast %jit3A : f32 to vector<2000x128xf32>
    %select_n3A = arith.select %eq3A_12, %broadcast_in_dim3A_14, %broadcast_in_dim3A_15 : vector<2000x128xi1>, vector<2000x128xf32>
    %swap3A = arith.constant 0 : index
    %swap3A_16 = arith.constant 0 : index
    %swap3A_17 = vector.load %arg2[%swap3A, %swap3A_16] : memref<2000x128xf32, #tpu.memory_space<vmem>>, vector<2000x128xf32>
    tpu.vector_store %arg2[%swap3A, %swap3A_16], %select_n3A {strides = array<i32>} : memref<2000x128xf32, #tpu.memory_space<vmem>>, vector<2000x128xf32>,
    return
  }
  func.func @transform_0(%arg0: i32) -> (i32, i32, i32, i32) {
    %c0_i32 = arith.constant 0 : i32
    %c0_i32_0 = arith.constant 0 : i32
    %c0_i32_1 = arith.constant 0 : i32
    %c0_i32_2 = arith.constant 0 : i32
    return %c0_i32, %arg0, %c0_i32_0, %c0_i32_1 : i32, i32, i32, i32
  }
  func.func @transform_1(%arg0: i32) -> (i32, i32) {
    %c0_i32 = arith.constant 0 : i32
    %c0_i32_0 = arith.constant 0 : i32
    return %arg0, %c0_i32 : i32, i32
  }
}

</mosaic_0001>

<sc_bundles>
// kernel: kernel.4.cloned.1.call-start
scs
__scs_entry_jumppad:
0x0: {  	(pc) =	sbr.rel $0x88, $3  }
0x1: {  	(tag) =	ssettag $0x0;
	lr =	simm.s32 $0x1  }
0x2: {  	[smem:$0x3F9E] =	sst lr;
	_ =	strace $0xD0000000  }
0x3: {  	_ = 	snop  }
0x4: {  	_ = 	snop  }
0x5: {  	_ = 	snop  }
0x6: {  	_ = 	snop  }
0x7: {  	_ = 	snop  }
__scs_overlays_trampoline_lowered:
0x8: {  	[smem:$0x3FAD] =	sst s0  }
0x9: {  	[smem:$0x3FAE] =	sst s1  }
0xa: {  	[smem:$0x3FAF] =	sst s2  }
0xb: {  	[smem:$0x3FB0] =	sst s3  }
0xc: {  	[smem:$0x3FB1] =	sst s4  }
0xd: {  	[smem:$0x3FB2] =	sst s5  }
0xe: {  	[smem:$0x3FB3] =	sst s6  }
0xf: {  	[smem:$0x3FB4] =	sst s7  }
0x10: {  	[smem:$0x3FB5] =	sst s8  }
0x11: {  	[smem:$0x3FB6] =	sst s9;
	s0 =	simm.s32 @!p0 $0x0  }
0x12: {  	s1 =	sld [smem:$0x3F9C];
	s0 =	simm.s32 @p0 $0x1  }
0x13: {  	[smem:$0x3FB7] =	sst s0;
	s0 =	simm.s32 @!p1 $0x0  }
0x14: {  	s2 =	sld [smem:$0x3F9B];
	s0 =	simm.s32 @p1 $0x1  }
0x15: {  	[smem:$0x3FB8] =	sst s0;
	s0 =	simm.s32 @!p2 $0x0  }
0x16: {  	s3 =	sld [smem:$0x3FDB];
	s0 =	simm.s32 @p2 $0x1  }
0x17: {  	s4 =	simm.s32 $0x1BF5;
	[smem:$0x3FBA] =	sst s0  }
0x18: {  	s0 =	sld [smem:$0x3F9D];
	_ =	swait.ge [sflag:s4], $0x0  }
0x19: {  	s7 =	sld [smem:$0x3F9E]  }
0x1a: {  	s8 =	sadd.s32 $0xFFFFE003, lr  }
0x1b: {  	s9 =	sadd.s32 $0xFFFFFEF7, lr;
	s5 =	simm.s32 $0xFFFFFFFF;
	p2 =	slt.u32 s8, $0xFFFFF086  }
0x1c: {  	p1 =	slt.u32 s9, $0xF7A;
	s5 =	simm.s32 @!p2 $0x0  }
0x1d: {  	s5 =	simm.s32 @p1 $0x1;
	p0 =	seq.s32 s7, s2  }
0x1e: {  	s7 =	smul.u32 @!p0 $0xF7A, s2;
	p2 =	seq.s32 @!p0 s5, $0x0  }
0x1f: {  	s9 =	smul.u32 $0xF7A, s1;
	s8 =	simm.s32 @!p0 $0x1BF5;
	p2 =	por !p2, p0  }
0x20: {  	[sflag:s8] =	ssyncset.s32 @!p0 $0xFFFFF086;
	s6 =	sadd.s32 @!p0 s3, s7;
	s7 =	simm.s32 @!p0 $0x108  }
0x21: {  	s3 =	sadd.s32 s3, s9;
	s6 =	sadd.s32 @!p0 $0x88, s6;
	s7 =	simm.s32 @p2 $0x1082  }
0x22: {  	[simem:s7], [sflag:s8] =	dma.local @!p0 [hbm:s6], $0xF7A  }
0x23: {  	s9 =	sor.u32 $0xD0000000, s2;
	s6 =	simm.s32 $0x108;
	_ =	swait.ge @!p0 [sflag:s8], $0x0  }
0x24: {  	s3 =	sadd.s32 $0x88, s3;
	s6 =	simm.s32 @!p1 $0x1082;
	[sflag:s4] =	ssyncset.s32 $0xFFFFF086  }
0x25: {  	[simem:s6], [sflag:s4] =	dma.local [hbm:s3], $0xF7A  }
0x26: {  	[smem:$0x3F9E] =	sst s1;
	(tag) =	ssettag s2;
	_ =	strace s9  }
0x27: {  	s1 =	sld [smem:$0x3FAE]  }
0x28: {  	s2 =	sld [smem:$0x3FAF]  }
0x29: {  	s4 =	sld [smem:$0x3FB1]  }
0x2a: {  	p0 =	seq.s32 s5, $0x0;
	s5 =	sld [smem:$0x3FB2]  }
0x2b: {  	s6 =	sld [smem:$0x3FB3]  }
0x2c: {  	s7 =	sld [smem:$0x3FB4]  }
0x2d: {  	s3 =	simm.s32 $0x108;
	s8 =	sld [smem:$0x3FB5]  }
0x2e: {  	s3 =	simm.s32 @!p0 $0x1082;
	s9 =	sld [smem:$0x3FB6]  }
0x2f: {  	lr =	sadd.s32 s0, s3;
	s0 =	sld [smem:$0x3FAD]  }
0x30: {  	s3 =	sld [smem:$0x3FB0]  }
0x31: {  	[smem:$0x3FB9] =	sst s10  }
0x32: {  	s10 =	sld [smem:$0x3FB7];
	_ =	sdelay $0x3  }
0x33: {  	p0 =	seq.s32 s10, $0x1;
	s10 =	sld [smem:$0x3FB9];
	_ =	sdelay $0x3  }
0x34: {  	[smem:$0x3FB9] =	sst s10  }
0x35: {  	s10 =	sld [smem:$0x3FB8];
	_ =	sdelay $0x3  }
0x36: {  	p1 =	seq.s32 s10, $0x1;
	s10 =	sld [smem:$0x3FB9];
	_ =	sdelay $0x3  }
0x37: {  	[smem:$0x3FB9] =	sst s10  }
0x38: {  	s10 =	sld [smem:$0x3FBA]  }
0x39: {  	_ = 	snop;
	(pc) =	sbr.ind lr, $3  }
0x3a: {  	_ = 	snop  }
0x3b: {  	_ = 	snop  }
0x3c: {  	p2 =	seq.s32 s10, $0x1;
	s10 =	sld [smem:$0x3FB9]  }
0x3d: {  	_ =	shalt  }
0x3e: {  	_ =	shalt  }
0x3f: {  	_ =	shalt  }
0x40: {  	_ =	shalt  }
0x41: {  	_ =	shalt  }
0x42: {  	_ =	shalt  }
0x43: {  	_ =	shalt  }
0x44: {  	_ =	shalt  }
0x45: {  	_ =	shalt  }
0x46: {  	_ =	shalt  }
0x47: {  	_ =	shalt  }
0x48: {  	_ =	shalt  }
0x49: {  	_ =	shalt  }
0x4a: {  	_ =	shalt  }
0x4b: {  	_ =	shalt  }
0x4c: {  	_ =	shalt  }
0x4d: {  	_ =	shalt  }
0x4e: {  	_ =	shalt  }
0x4f: {  	_ =	shalt  }
0x50: {  	_ =	shalt  }
0x51: {  	_ =	shalt  }
0x52: {  	_ =	shalt  }
0x53: {  	_ =	shalt  }
0x54: {  	_ =	shalt  }
0x55: {  	_ =	shalt  }
0x56: {  	_ =	shalt  }
0x57: {  	_ =	shalt  }
0x58: {  	_ =	shalt  }
0x59: {  	_ =	shalt  }
0x5a: {  	_ =	shalt  }
0x5b: {  	_ =	shalt  }
0x5c: {  	_ =	shalt  }
0x5d: {  	_ =	shalt  }
0x5e: {  	_ =	shalt  }
0x5f: {  	_ =	shalt  }
0x60: {  	_ =	shalt  }
0x61: {  	_ =	shalt  }
0x62: {  	_ =	shalt  }
0x63: {  	_ =	shalt  }
0x64: {  	_ =	shalt  }
0x65: {  	_ =	shalt  }
0x66: {  	_ =	shalt  }
0x67: {  	_ =	shalt  }
0x68: {  	_ =	shalt  }
0x69: {  	_ =	shalt  }
0x6a: {  	_ =	shalt  }
0x6b: {  	_ =	shalt  }
0x6c: {  	_ =	shalt  }
0x6d: {  	_ =	shalt  }
0x6e: {  	_ =	shalt  }
0x6f: {  	_ =	shalt  }
0x70: {  	_ =	shalt  }
0x71: {  	_ =	shalt  }
0x72: {  	_ =	shalt  }
0x73: {  	_ =	shalt  }
0x74: {  	_ =	shalt  }
0x75: {  	_ =	shalt  }
0x76: {  	_ =	shalt  }
0x77: {  	_ =	shalt  }
0x78: {  	_ =	shalt  }
0x79: {  	_ =	shalt  }
0x7a: {  	_ =	shalt  }
0x7b: {  	_ =	shalt  }
0x7c: {  	_ =	shalt  }
0x7d: {  	_ =	shalt  }
0x7e: {  	_ =	shalt  }
0x7f: {  	_ =	shalt  }
0x80: {  	_ =	shalt  }
0x81: {  	_ =	shalt  }
0x82: {  	_ =	shalt  }
0x83: {  	_ =	shalt  }
0x84: {  	_ =	shalt  }
0x85: {  	_ =	shalt  }
0x86: {  	_ =	shalt  }
0x87: {  	_ =	shalt  }
.Lfunc_end0:
.L_simem_size_0:
called_computation_lowered:
.L_overlay_start_0:
0x88: {  	s2 =	sld [smem:$0x3FD9]  }
0x89: {  	s3 =	sld [smem:$0x3FFE];
	_ =	sdelay $0x1  }
0x8a: {  	s1 =	srdreg.scid  }
0x8b: {  	s0 =	sand.u32 $0x1, s1  }
0x8c: {  	s14 =	sshll.u32 s0, $0xA;
	s2 =	sadd.s32 s3, s2  }
0x8d: {  	s2 =	sadd.s32 s2, s14  }
0x8e: {  	[smem:$0x3FC5] =	sst s2  }
0x8f: {  	_ = 	snop  }
0x90: {  	s2 =	sld [smem:$0x3FD0];
	_ =	sdelay $0x1  }
0x91: {  	s15 =	sld [smem:$0x3FC8]  }
0x92: {  	s5 =	simm.s32 $0xA;
	s6 =	simm.s32 $0x10;
	s4 =	sld [smem:$0x3FC7]  }
0x93: {  	[smem:s6], [sflag:s5] =	dma.local [hbm:s2], $0x1  }
0x94: {  	_ =	swait.eq [sflag:s5], $0x1  }
0x95: {  	[sflag:s5] =	ssyncset.done $0x0  }
0x96: {  	[sflag:s5] =	ssyncadd.s32 $0xFFFFFFFF  }
0x97: {  	s16 =	sld [smem:$0x10];
	(tm) =	ssettm $0x1  }
0x98: {  	s17 =	sld [smem:$0x3FFB];
	_ =	sdelay $0x3  }
0x99: {  	_ =	strace s17  }
0x9a: {  	s5 =	sld [smem:$0x3FFC];
	_ =	sdelay $0x3  }
0x9b: {  	_ =	strace s5  }
0x9c: {  	s5 =	sld [smem:$0x3FFD];
	_ =	sdelay $0x3  }
0x9d: {  	_ =	strace s5  }
0x9e: {  	_ =	strace $0x8FFFFFFF  }
0x9f: {  	s18 =	sld [smem:$0x3FDB];
	_ =	sdelay $0x1  }
0xa0: {  	s19 =	simm.s32 $_scs_section_size  }
0xa1: {  	s7 =	simm.s32 $_size__tile_overlayer_lowered;
	s8 =	simm.s32 $_tile_overlayer_lowered  }
0xa2: {  	s22 =	simm.s32 $0x1BFF;
	s21 =	sshll.u32 s8, $0x1;
	s5 =	sadd.s32 s19, s18  }
0xa3: {  	s9 =	simm.s32 $0x0;
	s20 =	sshll.u32 s7, $0x1;
	s7 =	sadd.s32 s21, s5  }
0xa4: {  	[timem:s9], [sflag:s22] =	dma.local [hbm:s7], s20  }
0xa5: {  	_ =	swait.ge [sflag:s22], s20  }
0xa6: {  	s6 =	ssub.s32 $0x0, s20;
	[sflag:s22] =	ssyncset.done $0x0  }
0xa7: {  	[sflag:s22] =	ssyncadd.s32 s6;
	_ =	sdelay $0x1  }
0xa8: {  	s23 =	simm.s32 $0x1B8B  }
0xa9: {  	_ =	swait.ge [sflag:s23], $0x1  }
0xaa: {  	[sflag:s23] =	ssyncset.done $0x0  }
0xab: {  	s25 =	simm.s32 $0x1B8E;
	s24 =	sld [smem:$0x3FFE];
	[sflag:s23] =	ssyncadd.s32 $0xFFFFFFFF  }
0xac: {  	s26 =	simm.s32 $execute0_lowered;
	[smem:$0x3FD2] =	sst s25  }
0xad: {  	s7 =	sshll.u32 s26, $0x1;
	_ =	strace $0x80000046;
	[dreg:$0x1] =	wrdreg $0xFFFFFFFF  }
0xae: {  	s28 =	simm.s32 $_size_execute0_lowered;
	s5 =	sadd.s32 s5, s7;
	[dreg:$0x0] =	wrdreg $0x0  }
0xaf: {  	s7 =	sshll.u32 s28, $0x1;
	[dreg:$0x2] =	wrdreg s5  }
0xb0: {  	[dreg:$0x3] =	wrdreg s7  }
0xb1: {  	[dreg:$0x4] =	wrdreg $0xC0  }
0xb2: {  	_ =	task [dreg:s9], $0x5FFFF  }
0xb3: {  	[dreg:$0x1] =	wrdreg $0xFFFFFFFF  }
0xb4: {  	[dreg:$0x0] =	wrdreg $0x60  }
0xb5: {  	[dreg:$0x2] =	wrdreg s15  }
0xb6: {  	[dreg:$0x3] =	wrdreg s4  }
0xb7: {  	[dreg:$0x4] =	wrdreg s24  }
0xb8: {  	[dreg:$0x5] =	wrdreg s16  }
0xb9: {  	[dreg:$0x6] =	wrdreg $0xA4100  }
0xba: {  	[dreg:$0x7] =	wrdreg $0x9  }
0xbb: {  	_ =	task.clear_ibuf [dreg:s9], $0x8FFFF;
	_ =	strace $0x90000046  }
0xbc: {  	s29 =	simm.s32 $0x9;
	_ =	strace $0x80000048  }
0xbd: {  	_ =	swait.ge [sflag:s29], $0x1  }
0xbe: {  	[sflag:s29] =	ssyncadd.s32 $0xFFFFFFFF  }
0xbf: {  	_ =	strace $0x90000048  }
0xc0: {  	_ =	sfence  }
0xc1: {  	s30 =	sld [smem:$0x0];
	_ =	sdelay $0x2  }
0xc2: {  	s31 =	sshll.u32 s1, $0xD;
	s1 =	sshrl.u32 s1, $0x2  }
0xc3: {  	s3 =	sand.u32 $0x4000, s31;
	s1 =	sadd.s32 s1, s30  }
0xc4: {  	s0 =	sor.u32 s3, s0;
	s1 =	sshll.u32 s1, $0x11  }
0xc5: {  	s0 =	sor.u32 s1, s0  }
0xc6: {  	s0 =	sadd.s32 $0x8F2B, s0  }
0xc7: {  	[sflag:s0] =	ssyncadd.remote.s32 $0x1  }
0xc8: {  	_ =	sfence.sel $0xFFFF  }
0xc9: {  	[dreg:$0x0] =	wrdreg $0xFFFFFFFF;
	(pc) =	sbr.abs _section_cstart, $3  }
0xca: {  	[dreg:$0x1] =	wrdreg $0xFFFFFFFF  }
0xcb: {  	_ =	task.clear_ibuf [dreg:s9], $0x2FFFF;
	_ =	strace $0x9FFFFFFF  }
0xcc: {  	(tm) =	ssettm $0x7FFFFFFF  }
0xcd: {  	_ =	shalt  }
tec
execute0_lowered:
.L_overlay_start_1:
0x0: {  	(tag) =	ssettag $0x1  }
0x1: {  	s5 =	rddreg [dreg:$0x0]  }
0x2: {  	s6 =	rddreg [dreg:$0x1]  }
0x3: {  	s7 =	rddreg [dreg:$0x2]  }
0x4: {  	s8 =	rddreg [dreg:$0x3]  }
0x5: {  	s1 =	rddreg [dreg:$0x4]  }
0x6: {  	s2 =	srdreg.scid;
	s0 =	rddreg [dreg:$0x5]  }
0x7: {  	s3 =	simm.s32 $0x0;
	s14 =	simm.s32 $0x4E20;
	s15 =	simm.s32 $0x7530  }
0x8: {  	s16 =	simm.s32 $0x1;
	s4 =	sand.u32 $0x1, s2;
	s2 =	stileid.u32  }
0x9: {  	s17 =	simm.s32 $0x2;
	[smem:$0x7FF] =	sst s3;
	s9 =	smul.u32 $0x2710, s4  }
0xa: {  	s20 =	simm.s32 $0x0;
	s10 =	smul.u32 $0x7D0, s2;
	_ =	strace $0x80000047  }
0xb: {  	s11 =	sshll.u32 s2, $0x1;
	s12 =	smul.u32 $0x1F40, s2;
	p0 =	sgt.u32 s2, $0x4  }
0xc: {  	s11 =	sor.u32 s4, s11;
	s4 =	ssub.s32 $0x2, s4;
	s18 =	sshll.u32 @!p0 s2, $0x6  }
0xd: {  	s9 =	sadd.s32 s10, s9;
	s11 =	smul.u32 $0x4E2, s11;
	s13 =	sshrl.u32 s4, $0x1  }
0xe: {  	s12 =	sshrl.u32 s12, $0x2;
	s19 =	sadd.s32 s10, s1;
	s18 =	sor.u32 @!p0 $0x1C03, s18  }
.Ltmp0:
0xf: {  	s9 =	sshrl.u32 s9, $0x3;
	s13 =	ssub.s32 s4, s13;
	(pc) =	sbr.rel .LBB2_1-.Ltmp0, $4  }
0x10: {  	s4 =	sadd.s32 s12, s1;
	s12 =	simm.s32 $0x3;
	s19 =	sshrl.u32 @!p0 s19, $0x3  }
0x11: {  	s9 =	sadd.s32 s9, s7;
	s5 =	sadd.s32 s5, s11;
	s6 =	sadd.s32 s6, s11  }
0x12: {  	s7 =	sadd.s32 s7, s11;
	s8 =	sadd.s32 s8, s11;
	s10 =	smax.u32 s13, $0x1  }
0x13: {  	v0 =	vimm.f32 $0.0e+00;
	s11 =	simm.s32 $0x9C40;
	s13 =	simm.s32 $0x2710;
	s9 =	sadd.s32 $0x9E00, s9  }
.LBB2_4:
0x14: {  	[tilespmem:s22+$0x9C40] =	vst v0  }
0x15: {  	[spmem:s4] =	stream.linear.scatter [tilespmem:s11], [sflag:$0x3], $0x7D0, $0x38;
	[tilespmem:$0xA688] =	vst v63  }
0x16: {  	_ =	swait.ge [sflag:s12], $0x7D0  }
0x17: {  	[sflag:s12] =	ssyncset.done $0x0  }
0x18: {  	[sflag:s12] =	ssyncadd.s32 $0xFFFFF830  }
.LBB2_5:
0x19: {  	[tilespmem:s3], [sflag:$0x1] =	stream.linear.gather [hbm4b:s5+s3], $0x2710, $0x38;
	[tilespmem:$0xA688] =	vst v63  }
0x1a: {  	_ = 	snop  }
0x1b: {  	[tilespmem:s13], [sflag:$0x1] =	stream.linear.gather [hbm4b:s6+s3], $0x2710, $0x38;
	[tilespmem:$0xA688] =	vst v63  }
0x1c: {  	_ = 	snop  }
0x1d: {  	[tilespmem:s14], [sflag:$0x1] =	stream.linear.gather [hbm4b:s7+s3], $0x2710, $0x38;
	[tilespmem:$0xA688] =	vst v63  }
0x1e: {  	_ = 	snop  }
0x1f: {  	[tilespmem:s15], [sflag:$0x1] =	stream.linear.gather [hbm4b:s8+s3], $0x2710, $0x38;
	[tilespmem:$0xA688] =	vst v63  }
0x20: {  	_ =	swait.ge [sflag:s16], $0x2710  }
0x21: {  	[sflag:s16] =	ssyncset.done $0x0  }
0x22: {  	[sflag:s16] =	ssyncadd.s32 $0xFFFFD8F0  }
0x23: {  	_ =	swait.ge [sflag:s16], $0x2710  }
0x24: {  	[sflag:s16] =	ssyncset.done $0x0  }
0x25: {  	[sflag:s16] =	ssyncadd.s32 $0xFFFFD8F0  }
0x26: {  	_ =	swait.ge [sflag:s16], $0x2710  }
0x27: {  	[sflag:s16] =	ssyncset.done $0x0  }
0x28: {  	[sflag:s16] =	ssyncadd.s32 $0xFFFFD8F0  }
0x29: {  	_ =	swait.ge [sflag:s16], $0x2710  }
0x2a: {  	[sflag:s16] =	ssyncset.done $0x0  }
0x2b: {  	[sflag:s16] =	ssyncadd.s32 $0xFFFFD8F0  }
0x2c: {  	[bflag:$0x0] =	sbarrier.arrive $0xFFFF  }
0x2d: {  	[spmem:s1] =	stream.indirect.scatter.add.f32 [tilespmem:s14], [sflag:$0x2], $0x1, s3, s13, $0xb8;
	[tilespmem:$0xA688] =	vst v63  }
0x2e: {  	_ = 	snop  }
0x2f: {  	[spmem:s1] =	stream.indirect.scatter.add.f32 [tilespmem:s15], [sflag:$0x2], $0x1, s13, s13, $0xb8;
	[tilespmem:$0xA688] =	vst v63  }
0x30: {  	_ =	swait.ge [sflag:s17], $0x2710  }
0x31: {  	[sflag:s17] =	ssyncset.done $0x0  }
0x32: {  	[sflag:s17] =	ssyncadd.s32 $0xFFFFD8F0  }
0x33: {  	_ =	swait.ge [sflag:s17], $0x2710  }
0x34: {  	s20 =	sadd.s32 $0x1, s20;
	[sflag:s17] =	ssyncset.done $0x0  }
0x35: {  	p1 =	sne.s32 s20, s10;
	[sflag:s17] =	ssyncadd.s32 $0xFFFFD8F0  }
.Ltmp1:
0x36: {  	s21 =	simm.s32 @!p0 $0x3;
	[bflag:$0x0] =	sbarrier.arrive $0xFFFF;
	(pc) =	sbr.rel @!p1 .LBB2_6-.Ltmp1, $4  }
0x37: {  	[hbm:s9], [sflag:s18] =	dma.local @!p0 [spmem:s19], $0xFA  }
0x38: {  	_ =	swait.ge @!p0 [sflag:s21], $0xFA  }
0x39: {  	[sflag:s21] =	ssyncset.done @!p0 $0x0  }
0x3a: {  	[sflag:s21] =	ssyncadd.s32 @!p0 $0xFFFFFF06  }
.LBB2_1:
.Ltmp2:
0x3b: {  	(pc) =	sbr.rel @p0 .LBB2_5-.Ltmp2, $1  }
0x3c: {  	_ =	sdelay $0x3  }
0x3d: {  	s21 =	simm.s32 $0x40;
	s22 =	simm.s32 $0x0  }
.LBB2_3:
0x3e: {  	p1 =	sne.s32 s21, $0x1F00;
	[tilespmem:s22+$0x9C40] =	vst v0;
	s22 =	smov.u32 s21;
	s21 =	sadd.s32 $0x40, s21  }
.Ltmp3:
0x3f: {  	(pc) =	sbr.rel @p1 .LBB2_3-.Ltmp3, $2  }
0x40: {  	_ =	sdelay $0x2  }
0x41: {  	s22 =	sshra.s32 s22, $0x2  }
.Ltmp4:
0x42: {  	_ = 	snop;
	(pc) =	sbr.rel .LBB2_4-.Ltmp4, $1  }
0x43: {  	_ =	sdelay $0x3  }
.LBB2_6:
0x44: {  	_ =	sfence.sel $0x180000  }
0x45: {  	[bflag:$0x0] =	sbarrier.arrive $0xFFFF  }
0x46: {  	p0 =	sne.s32 s2, $0x0;
	_ =	strace $0x90000047  }
0x47: {  	s0 =	sadd.s32 @!p0 $0x100000, s0;
	[bflag:$0x2] =	sbarrier.arrive $0xFFFF  }
0x48: {  	[sflag:s0] =	ssyncadd.tile.s32 @!p0 $0x1;
	_ =	shalt  }
.Lfunc_end2:
_tile_overlayer_lowered:
.L_overlay_start_2:
0x49: {  	(tag) =	ssettag $0x2  }
0x4a: {  	s0 =	rddreg [dreg:$0x0];
	s2 =	stileid.u32  }
0x4b: {  	s1 =	rddreg [dreg:$0x1];
	p0 =	sne.s32 s2, $0x0  }
0x4c: {  	s3 =	rddreg [dreg:$0x2];
	[bflag:$0x3] =	sbarrier.arrive $0xFFFF;
	s2 =	simm.s32 @!p0 $0x1C03  }
0x4d: {  	[timem:s3], [sflag:s2] =	dma.local @!p0 [hbm:s0], s1  }
0x4e: {  	s0 =	simm.s32 @!p0 $0x3  }
0x4f: {  	_ =	swait.ge @!p0 [sflag:s0], s1  }
0x50: {  	s1 =	ssub.s32 @!p0 $0x0, s1;
	[sflag:s0] =	ssyncset.done @!p0 $0x0  }
0x51: {  	[sflag:s0] =	ssyncadd.s32 @!p0 s1  }
0x52: {  	[bflag:$0x3] =	sbarrier.arrive $0xFFFF  }
0x53: {  	_ =	shalt  }

</sc_bundles>
